<compile_context>
chip_gen: v7x
topology: tpu7x:2x2x1
jax: 0.10.2.dev20260603
libtpu: 0.0.44.dev20260713+nightly
codegen_flags: <defaults>
</compile_context>

<pallas_src>
import functools

import jax
import jax.numpy as jnp
from jax import lax
from jax.experimental import pallas as pl
from jax.experimental.pallas import tpu as pltpu
from jax.experimental.pallas import tpu_sc as plsc

NUM_EMB = 100000
D = 128
BATCH = 4096
HIST = 50

NC = 2
NS = 16
NW = NC * NS
COLS_W = BATCH // NW
NBUF = 4


@functools.partial(
    pl.kernel,
    mesh=plsc.VectorSubcoreMesh(core_axis_name="c", subcore_axis_name="s"),
    compiler_params=pltpu.CompilerParams(skip_device_barrier=True),
    out_type=jax.ShapeDtypeStruct((HIST, BATCH, D), jnp.float32),
    scratch_types=[
        pltpu.VMEM((HIST, COLS_W), jnp.int32),
        pltpu.VMEM((NBUF, COLS_W, D), jnp.float32),
        pltpu.SemaphoreType.DMA,
        pltpu.SemaphoreType.DMA,
    ],
)
def _emb_gather(idx_hbm, table_hbm, out_hbm, idx_v, buf, gsem, ssem):
    wid = lax.axis_index("s") * NC + lax.axis_index("c")
    base = wid * COLS_W
    pltpu.sync_copy(idx_hbm.at[:, pl.ds(base, COLS_W)], idx_v)

    for b in range(NBUF - 1):
        pltpu.async_copy(table_hbm.at[idx_v.at[b]], buf.at[b], gsem)

    def step(g, carry):
        slot = lax.rem(g, NBUF)
        pltpu.make_async_copy(
            table_hbm.at[idx_v.at[g]], buf.at[slot], gsem
        ).wait()

        @pl.when(g + NBUF - 1 < HIST)
        def _():
            nslot = lax.rem(g + NBUF - 1, NBUF)

            @pl.when(g >= 1)
            def _():
                pltpu.make_async_copy(
                    buf.at[nslot],
                    out_hbm.at[g - 1, pl.ds(base, COLS_W)],
                    ssem,
                ).wait()

            pltpu.async_copy(
                table_hbm.at[idx_v.at[g + NBUF - 1]], buf.at[nslot], gsem
            )

        pltpu.async_copy(
            buf.at[slot], out_hbm.at[g, pl.ds(base, COLS_W)], ssem
        )
        return carry

    lax.fori_loop(0, HIST, step, 0)

    for g in range(HIST - NBUF, HIST):
        pltpu.make_async_copy(
            buf.at[g % NBUF], out_hbm.at[g, pl.ds(base, COLS_W)], ssem
        ).wait()


def kernel(token_ids, lookup):
    out = _emb_gather(token_ids.T.astype(jnp.int32), lookup)
    return out.transpose(1, 0, 2)

# --- scband reference (transcript-rebuilt; emitter-appended) ---
"""Pipeline reference for scband-embedding-43636867727547 (READ-ONLY COPY).

The authoritative reference and input builder live on the scoring server;
editing this copy changes nothing except your own understanding.
"""

import jax, jax.numpy as jnp
import numpy as np

NUM_EMBEDDINGS = 100000
EMBEDDING_DIM = 128
BATCH = 4096
HIST = 50

def setup_inputs(seed: int = 0) -> dict:
    key = jax.random.key(seed)
    k1, k2 = jax.random.split(key)
    token_ids = jax.random.randint(k1, (BATCH, HIST), 0, NUM_EMBEDDINGS, dtype=jnp.int64 if jax.config.jax_enable_x64 else jnp.int32)
    # trunc_normal_ init approximated by clipped standard normal (truncation at +/-2)
    lookup = jnp.clip(jax.random.normal(k2, (NUM_EMBEDDINGS, EMBEDDING_DIM), dtype=jnp.float32), -2.0, 2.0)
    return {"token_ids": token_ids, "lookup": lookup}

def reference(token_ids, lookup):
    # Embedding gather: lookup[token_ids] -> [..., d_model]
    return jnp.take(lookup, token_ids, axis=0)

if __name__ == "__main__":
    import jax
    _d = setup_inputs()
    print(jax.jit(kernel)(*tuple(_d.values())))

</pallas_src>

<mosaic_0001>
#map = affine_map<(d0, d1) -> (0, 0)>
#map1 = affine_map<(d0, d1) -> (0, 0, 0)>
module attributes {stable_mosaic.version = 14 : i64} {
  func.func @_emb_gather(%arg0: i32, %arg1: i32, %arg2: memref<50x4096xi32, #tpu.memory_space<hbm>>, %arg3: memref<100000x128xf32, #tpu.memory_space<hbm>>, %arg4: memref<50x4096x128xf32, #tpu.memory_space<hbm>>, %arg5: memref<50x128xi32, #tpu.memory_space<vmem>>, %arg6: memref<4x128x128xf32, #tpu.memory_space<vmem>>, %arg7: memref<!tpu.dma_semaphore, #tpu.memory_space<semaphore_mem>>, %arg8: memref<!tpu.dma_semaphore, #tpu.memory_space<semaphore_mem>>) attributes {dimension_semantics = [#tpu.dimension_semantics<core_parallel>, #tpu.dimension_semantics<subcore_parallel>], iteration_bounds = array<i64: 2, 16>, scalar_prefetch = 0 : i64, scratch_operands = 4 : i64, tpu.core_type = #tpu.core_type<sc_vector_subcore>, window_params = [{transform_indices = #map}, {transform_indices = #map}, {transform_indices = #map1}]} {
    %mul3A = arith.constant 2 : i32
    %mul3A_0 = arith.muli %arg1, %mul3A : i32
    %add3A = arith.addi %mul3A_0, %arg0 : i32
    %mul3A_1 = arith.constant 128 : i32
    %mul3A_2 = arith.muli %add3A, %mul3A_1 : i32
    "tpu.region"() ({
      %run_scoped3A = tpu.sem_alloc : memref<!tpu.dma_semaphore, #tpu.memory_space<semaphore_mem>>
      %dma_start3A_106 = arith.constant 0 : i32
      %dma_start3A_107 = tpu.memref_slice %arg2[%dma_start3A_106, %mul3A_2] : memref<50x4096xi32, #tpu.memory_space<hbm>> -> memref<50x128xi32, #tpu.memory_space<hbm>>
      %dma_start3A_108 = arith.constant 0 : i32
      %dma_start3A_109 = tpu.memref_slice %arg2[%dma_start3A_108, %mul3A_2] : memref<50x4096xi32, #tpu.memory_space<hbm>> -> memref<50x128xi32, #tpu.memory_space<hbm>>
      tpu.enqueue_dma source(%dma_start3A_109 : memref<50x128xi32, #tpu.memory_space<hbm>>) target(%arg5 : memref<50x128xi32, #tpu.memory_space<vmem>>) target_semaphore(%run_scoped3A : memref<!tpu.dma_semaphore, #tpu.memory_space<semaphore_mem>>)
      %dma_wait3A_110 = arith.constant 0 : i32
      %dma_wait3A_111 = tpu.memref_slice %arg2[%dma_wait3A_110, %mul3A_2] : memref<50x4096xi32, #tpu.memory_space<hbm>> -> memref<50x128xi32, #tpu.memory_space<hbm>>
      %dma_wait3A_112 = arith.constant 0 : i32
      %dma_wait3A_113 = tpu.memref_slice %arg2[%dma_wait3A_112, %mul3A_2] : memref<50x4096xi32, #tpu.memory_space<hbm>> -> memref<50x128xi32, #tpu.memory_space<hbm>>
      tpu.wait_dma2 semaphore(%run_scoped3A : memref<!tpu.dma_semaphore, #tpu.memory_space<semaphore_mem>>) src(%dma_wait3A_113 : memref<50x128xi32, #tpu.memory_space<hbm>>) dst(%arg5 : memref<50x128xi32, #tpu.memory_space<vmem>>)
      tpu.yield
    }) : () -> ()
    %dma_start3A = arith.constant 0 : i32
    %dma_start3A_3 = arith.constant 0 : i32
    %dma_start3A_4 = arith.constant 0 : i32
    %dma_start3A_5 = arith.constant 0 : i32
    %dma_start3A_6 = tpu.memref_slice %arg6[%dma_start3A_3, %dma_start3A_4, %dma_start3A_5] : memref<4x128x128xf32, #tpu.memory_space<vmem>> -> memref<1x128x128xf32, #tpu.memory_space<vmem>>
    %dma_start3A_7 = tpu.memref_squeeze %dma_start3A_6 : memref<1x128x128xf32, #tpu.memory_space<vmem>> -> memref<128x128xf32, #tpu.memory_space<vmem>>
    %dma_start3A_8 = arith.constant 0 : i32
    %dma_start3A_9 = tpu.memref_slice %arg5[%dma_start3A, %dma_start3A_8] : memref<50x128xi32, #tpu.memory_space<vmem>> -> memref<1x128xi32, #tpu.memory_space<vmem>>
    %dma_start3A_10 = tpu.memref_squeeze %dma_start3A_9 : memref<1x128xi32, #tpu.memory_space<vmem>> -> memref<128xi32, #tpu.memory_space<vmem>>
    %dma_start3A_11 = arith.constant 0 : i32
    %dma_start3A_12 = arith.constant 0 : i32
    %dma_start3A_13 = tpu.memref_slice %arg3[%dma_start3A_11, %dma_start3A_12] : memref<100000x128xf32, #tpu.memory_space<hbm>> -> memref<100000x128xf32, #tpu.memory_space<hbm>>
    tpu.enqueue_indirect_dma source(%dma_start3A_13 : memref<100000x128xf32, #tpu.memory_space<hbm>>) target(%dma_start3A_7 : memref<128x128xf32, #tpu.memory_space<vmem>>) offsets(%dma_start3A_10 : memref<128xi32, #tpu.memory_space<vmem>>) semaphore(%arg7 : memref<!tpu.dma_semaphore, #tpu.memory_space<semaphore_mem>>)
    %dma_start3A_14 = arith.constant 1 : i32
    %dma_start3A_15 = arith.constant 1 : i32
    %dma_start3A_16 = arith.constant 0 : i32
    %dma_start3A_17 = arith.constant 0 : i32
    %dma_start3A_18 = tpu.memref_slice %arg6[%dma_start3A_15, %dma_start3A_16, %dma_start3A_17] : memref<4x128x128xf32, #tpu.memory_space<vmem>> -> memref<1x128x128xf32, #tpu.memory_space<vmem>>
    %dma_start3A_19 = tpu.memref_squeeze %dma_start3A_18 : memref<1x128x128xf32, #tpu.memory_space<vmem>> -> memref<128x128xf32, #tpu.memory_space<vmem>>
    %dma_start3A_20 = arith.constant 0 : i32
    %dma_start3A_21 = tpu.memref_slice %arg5[%dma_start3A_14, %dma_start3A_20] : memref<50x128xi32, #tpu.memory_space<vmem>> -> memref<1x128xi32, #tpu.memory_space<vmem>>
    %dma_start3A_22 = tpu.memref_squeeze %dma_start3A_21 : memref<1x128xi32, #tpu.memory_space<vmem>> -> memref<128xi32, #tpu.memory_space<vmem>>
    %dma_start3A_23 = arith.constant 0 : i32
    %dma_start3A_24 = arith.constant 0 : i32
    %dma_start3A_25 = tpu.memref_slice %arg3[%dma_start3A_23, %dma_start3A_24] : memref<100000x128xf32, #tpu.memory_space<hbm>> -> memref<100000x128xf32, #tpu.memory_space<hbm>>
    tpu.enqueue_indirect_dma source(%dma_start3A_25 : memref<100000x128xf32, #tpu.memory_space<hbm>>) target(%dma_start3A_19 : memref<128x128xf32, #tpu.memory_space<vmem>>) offsets(%dma_start3A_22 : memref<128xi32, #tpu.memory_space<vmem>>) semaphore(%arg7 : memref<!tpu.dma_semaphore, #tpu.memory_space<semaphore_mem>>)
    %dma_start3A_26 = arith.constant 2 : i32
    %dma_start3A_27 = arith.constant 2 : i32
    %dma_start3A_28 = arith.constant 0 : i32
    %dma_start3A_29 = arith.constant 0 : i32
    %dma_start3A_30 = tpu.memref_slice %arg6[%dma_start3A_27, %dma_start3A_28, %dma_start3A_29] : memref<4x128x128xf32, #tpu.memory_space<vmem>> -> memref<1x128x128xf32, #tpu.memory_space<vmem>>
    %dma_start3A_31 = tpu.memref_squeeze %dma_start3A_30 : memref<1x128x128xf32, #tpu.memory_space<vmem>> -> memref<128x128xf32, #tpu.memory_space<vmem>>
    %dma_start3A_32 = arith.constant 0 : i32
    %dma_start3A_33 = tpu.memref_slice %arg5[%dma_start3A_26, %dma_start3A_32] : memref<50x128xi32, #tpu.memory_space<vmem>> -> memref<1x128xi32, #tpu.memory_space<vmem>>
    %dma_start3A_34 = tpu.memref_squeeze %dma_start3A_33 : memref<1x128xi32, #tpu.memory_space<vmem>> -> memref<128xi32, #tpu.memory_space<vmem>>
    %dma_start3A_35 = arith.constant 0 : i32
    %dma_start3A_36 = arith.constant 0 : i32
    %dma_start3A_37 = tpu.memref_slice %arg3[%dma_start3A_35, %dma_start3A_36] : memref<100000x128xf32, #tpu.memory_space<hbm>> -> memref<100000x128xf32, #tpu.memory_space<hbm>>
    tpu.enqueue_indirect_dma source(%dma_start3A_37 : memref<100000x128xf32, #tpu.memory_space<hbm>>) target(%dma_start3A_31 : memref<128x128xf32, #tpu.memory_space<vmem>>) offsets(%dma_start3A_34 : memref<128xi32, #tpu.memory_space<vmem>>) semaphore(%arg7 : memref<!tpu.dma_semaphore, #tpu.memory_space<semaphore_mem>>)
    %scan3A = arith.constant 0 : i32
    %scan3A_38 = arith.constant 0 : i32
    %scan3A_39 = arith.constant 50 : i32
    %scan3A_40 = arith.addi %scan3A_38, %scan3A_39 : i32
    %scan3A_41 = arith.constant 1 : i32
    scf.for %scan3A_106 = %scan3A_38 to %scan3A_40 step %scan3A_41  : i32 {
      %rem3A = arith.constant 4 : i32
      %rem3A_107 = arith.remsi %scan3A_106, %rem3A : i32
      %dma_wait3A_108 = arith.constant 0 : i32
      %dma_wait3A_109 = arith.constant 0 : i32
      %dma_wait3A_110 = tpu.memref_slice %arg6[%rem3A_107, %dma_wait3A_108, %dma_wait3A_109] : memref<4x128x128xf32, #tpu.memory_space<vmem>> -> memref<1x128x128xf32, #tpu.memory_space<vmem>>
      %dma_wait3A_111 = tpu.memref_squeeze %dma_wait3A_110 : memref<1x128x128xf32, #tpu.memory_space<vmem>> -> memref<128x128xf32, #tpu.memory_space<vmem>>
      %dma_wait3A_112 = arith.constant 0 : i32
      %dma_wait3A_113 = tpu.memref_slice %arg5[%scan3A_106, %dma_wait3A_112] : memref<50x128xi32, #tpu.memory_space<vmem>> -> memref<1x128xi32, #tpu.memory_space<vmem>>
      %dma_wait3A_114 = tpu.memref_squeeze %dma_wait3A_113 : memref<1x128xi32, #tpu.memory_space<vmem>> -> memref<128xi32, #tpu.memory_space<vmem>>
      %dma_wait3A_115 = arith.constant 0 : i32
      %dma_wait3A_116 = arith.constant 0 : i32
      %dma_wait3A_117 = tpu.memref_slice %arg3[%dma_wait3A_115, %dma_wait3A_116] : memref<100000x128xf32, #tpu.memory_space<hbm>> -> memref<100000x128xf32, #tpu.memory_space<hbm>>
      tpu.wait_indirect_dma semaphore(%arg7 : memref<!tpu.dma_semaphore, #tpu.memory_space<semaphore_mem>>) src(%dma_wait3A_117 : memref<100000x128xf32, #tpu.memory_space<hbm>>) dst(%dma_wait3A_111 : memref<128x128xf32, #tpu.memory_space<vmem>>)
      %add3A_118 = arith.constant 4 : i32
      %add3A_119 = arith.addi %scan3A_106, %add3A_118 : i32
      %sub3A = arith.constant 1 : i32
      %sub3A_120 = arith.subi %add3A_119, %sub3A : i32
      %lt3A = arith.constant 50 : i32
      %lt3A_121 = arith.cmpi slt, %sub3A_120, %lt3A : i32
      %convert_element_type3A = arith.extui %lt3A_121 : i1 to i32
      %cond3A = arith.constant 0 : i32
      %cond3A_122 = arith.cmpi ne, %convert_element_type3A, %cond3A : i32
      scf.if %cond3A_122 {
        %add3A_137 = arith.constant 4 : i32
        %add3A_138 = arith.addi %scan3A_106, %add3A_137 : i32
        %sub3A_139 = arith.constant 1 : i32
        %sub3A_140 = arith.subi %add3A_138, %sub3A_139 : i32
        %rem3A_141 = arith.constant 4 : i32
        %rem3A_142 = arith.remsi %sub3A_140, %rem3A_141 : i32
        %ge3A = arith.constant 1 : i32
        %ge3A_143 = arith.cmpi sge, %scan3A_106, %ge3A : i32
        %convert_element_type3A_144 = arith.extui %ge3A_143 : i1 to i32
        %cond3A_145 = arith.constant 0 : i32
        %cond3A_146 = arith.cmpi ne, %convert_element_type3A_144, %cond3A_145 : i32
        scf.if %cond3A_146 {
          %sub3A_161 = arith.constant 1 : i32
          %sub3A_162 = arith.subi %scan3A_106, %sub3A_161 : i32
          %dma_wait3A_163 = arith.constant 0 : i32
          %dma_wait3A_164 = arith.constant 0 : i32
          %dma_wait3A_165 = tpu.memref_slice %arg6[%rem3A_142, %dma_wait3A_163, %dma_wait3A_164] : memref<4x128x128xf32, #tpu.memory_space<vmem>> -> memref<1x128x128xf32, #tpu.memory_space<vmem>>
          %dma_wait3A_166 = tpu.memref_squeeze %dma_wait3A_165 : memref<1x128x128xf32, #tpu.memory_space<vmem>> -> memref<128x128xf32, #tpu.memory_space<vmem>>
          %dma_wait3A_167 = arith.constant 0 : i32
          %dma_wait3A_168 = tpu.memref_slice %arg4[%sub3A_162, %mul3A_2, %dma_wait3A_167] : memref<50x4096x128xf32, #tpu.memory_space<hbm>> -> memref<1x128x128xf32, #tpu.memory_space<hbm>>
          %dma_wait3A_169 = tpu.memref_squeeze %dma_wait3A_168 : memref<1x128x128xf32, #tpu.memory_space<hbm>> -> memref<128x128xf32, #tpu.memory_space<hbm>>
          %dma_wait3A_170 = arith.constant 0 : i32
          %dma_wait3A_171 = tpu.memref_slice %arg4[%sub3A_162, %mul3A_2, %dma_wait3A_170] : memref<50x4096x128xf32, #tpu.memory_space<hbm>> -> memref<1x128x128xf32, #tpu.memory_space<hbm>>
          %dma_wait3A_172 = tpu.memref_squeeze %dma_wait3A_171 : memref<1x128x128xf32, #tpu.memory_space<hbm>> -> memref<128x128xf32, #tpu.memory_space<hbm>>
          %dma_wait3A_173 = arith.constant 0 : i32
          %dma_wait3A_174 = arith.constant 0 : i32
          %dma_wait3A_175 = tpu.memref_slice %arg6[%rem3A_142, %dma_wait3A_173, %dma_wait3A_174] : memref<4x128x128xf32, #tpu.memory_space<vmem>> -> memref<1x128x128xf32, #tpu.memory_space<vmem>>
          %dma_wait3A_176 = tpu.memref_squeeze %dma_wait3A_175 : memref<1x128x128xf32, #tpu.memory_space<vmem>> -> memref<128x128xf32, #tpu.memory_space<vmem>>
          tpu.wait_dma2 semaphore(%arg8 : memref<!tpu.dma_semaphore, #tpu.memory_space<semaphore_mem>>) src(%dma_wait3A_176 : memref<128x128xf32, #tpu.memory_space<vmem>>) dst(%dma_wait3A_172 : memref<128x128xf32, #tpu.memory_space<hbm>>)
        } else {
        }
        %add3A_147 = arith.constant 4 : i32
        %add3A_148 = arith.addi %scan3A_106, %add3A_147 : i32
        %sub3A_149 = arith.constant 1 : i32
        %sub3A_150 = arith.subi %add3A_148, %sub3A_149 : i32
        %dma_start3A_151 = arith.constant 0 : i32
        %dma_start3A_152 = arith.constant 0 : i32
        %dma_start3A_153 = tpu.memref_slice %arg6[%rem3A_142, %dma_start3A_151, %dma_start3A_152] : memref<4x128x128xf32, #tpu.memory_space<vmem>> -> memref<1x128x128xf32, #tpu.memory_space<vmem>>
        %dma_start3A_154 = tpu.memref_squeeze %dma_start3A_153 : memref<1x128x128xf32, #tpu.memory_space<vmem>> -> memref<128x128xf32, #tpu.memory_space<vmem>>
        %dma_start3A_155 = arith.constant 0 : i32
        %dma_start3A_156 = tpu.memref_slice %arg5[%sub3A_150, %dma_start3A_155] : memref<50x128xi32, #tpu.memory_space<vmem>> -> memref<1x128xi32, #tpu.memory_space<vmem>>
        %dma_start3A_157 = tpu.memref_squeeze %dma_start3A_156 : memref<1x128xi32, #tpu.memory_space<vmem>> -> memref<128xi32, #tpu.memory_space<vmem>>
        %dma_start3A_158 = arith.constant 0 : i32
        %dma_start3A_159 = arith.constant 0 : i32
        %dma_start3A_160 = tpu.memref_slice %arg3[%dma_start3A_158, %dma_start3A_159] : memref<100000x128xf32, #tpu.memory_space<hbm>> -> memref<100000x128xf32, #tpu.memory_space<hbm>>
        tpu.enqueue_indirect_dma source(%dma_start3A_160 : memref<100000x128xf32, #tpu.memory_space<hbm>>) target(%dma_start3A_154 : memref<128x128xf32, #tpu.memory_space<vmem>>) offsets(%dma_start3A_157 : memref<128xi32, #tpu.memory_space<vmem>>) semaphore(%arg7 : memref<!tpu.dma_semaphore, #tpu.memory_space<semaphore_mem>>)
      } else {
      }
      %dma_start3A_123 = arith.constant 0 : i32
      %dma_start3A_124 = arith.constant 0 : i32
      %dma_start3A_125 = tpu.memref_slice %arg6[%rem3A_107, %dma_start3A_123, %dma_start3A_124] : memref<4x128x128xf32, #tpu.memory_space<vmem>> -> memref<1x128x128xf32, #tpu.memory_space<vmem>>
      %dma_start3A_126 = tpu.memref_squeeze %dma_start3A_125 : memref<1x128x128xf32, #tpu.memory_space<vmem>> -> memref<128x128xf32, #tpu.memory_space<vmem>>
      %dma_start3A_127 = arith.constant 0 : i32
      %dma_start3A_128 = tpu.memref_slice %arg4[%scan3A_106, %mul3A_2, %dma_start3A_127] : memref<50x4096x128xf32, #tpu.memory_space<hbm>> -> memref<1x128x128xf32, #tpu.memory_space<hbm>>
      %dma_start3A_129 = tpu.memref_squeeze %dma_start3A_128 : memref<1x128x128xf32, #tpu.memory_space<hbm>> -> memref<128x128xf32, #tpu.memory_space<hbm>>
      %dma_start3A_130 = arith.constant 0 : i32
      %dma_start3A_131 = tpu.memref_slice %arg4[%scan3A_106, %mul3A_2, %dma_start3A_130] : memref<50x4096x128xf32, #tpu.memory_space<hbm>> -> memref<1x128x128xf32, #tpu.memory_space<hbm>>
      %dma_start3A_132 = tpu.memref_squeeze %dma_start3A_131 : memref<1x128x128xf32, #tpu.memory_space<hbm>> -> memref<128x128xf32, #tpu.memory_space<hbm>>
      %dma_start3A_133 = arith.constant 0 : i32
      %dma_start3A_134 = arith.constant 0 : i32
      %dma_start3A_135 = tpu.memref_slice %arg6[%rem3A_107, %dma_start3A_133, %dma_start3A_134] : memref<4x128x128xf32, #tpu.memory_space<vmem>> -> memref<1x128x128xf32, #tpu.memory_space<vmem>>
      %dma_start3A_136 = tpu.memref_squeeze %dma_start3A_135 : memref<1x128x128xf32, #tpu.memory_space<vmem>> -> memref<128x128xf32, #tpu.memory_space<vmem>>
      tpu.enqueue_dma source(%dma_start3A_136 : memref<128x128xf32, #tpu.memory_space<vmem>>) target(%dma_start3A_132 : memref<128x128xf32, #tpu.memory_space<hbm>>) target_semaphore(%arg8 : memref<!tpu.dma_semaphore, #tpu.memory_space<semaphore_mem>>)
    }
    %scan3A_42 = arith.constant 50 : i32
    %dma_wait3A = arith.constant 2 : i32
    %dma_wait3A_43 = arith.constant 46 : i32
    %dma_wait3A_44 = arith.constant 0 : i32
    %dma_wait3A_45 = arith.constant 0 : i32
    %dma_wait3A_46 = tpu.memref_slice %arg6[%dma_wait3A, %dma_wait3A_44, %dma_wait3A_45] : memref<4x128x128xf32, #tpu.memory_space<vmem>> -> memref<1x128x128xf32, #tpu.memory_space<vmem>>
    %dma_wait3A_47 = tpu.memref_squeeze %dma_wait3A_46 : memref<1x128x128xf32, #tpu.memory_space<vmem>> -> memref<128x128xf32, #tpu.memory_space<vmem>>
    %dma_wait3A_48 = arith.constant 0 : i32
    %dma_wait3A_49 = tpu.memref_slice %arg4[%dma_wait3A_43, %mul3A_2, %dma_wait3A_48] : memref<50x4096x128xf32, #tpu.memory_space<hbm>> -> memref<1x128x128xf32, #tpu.memory_space<hbm>>
    %dma_wait3A_50 = tpu.memref_squeeze %dma_wait3A_49 : memref<1x128x128xf32, #tpu.memory_space<hbm>> -> memref<128x128xf32, #tpu.memory_space<hbm>>
    %dma_wait3A_51 = arith.constant 0 : i32
    %dma_wait3A_52 = tpu.memref_slice %arg4[%dma_wait3A_43, %mul3A_2, %dma_wait3A_51] : memref<50x4096x128xf32, #tpu.memory_space<hbm>> -> memref<1x128x128xf32, #tpu.memory_space<hbm>>
    %dma_wait3A_53 = tpu.memref_squeeze %dma_wait3A_52 : memref<1x128x128xf32, #tpu.memory_space<hbm>> -> memref<128x128xf32, #tpu.memory_space<hbm>>
    %dma_wait3A_54 = arith.constant 0 : i32
    %dma_wait3A_55 = arith.constant 0 : i32
    %dma_wait3A_56 = tpu.memref_slice %arg6[%dma_wait3A, %dma_wait3A_54, %dma_wait3A_55] : memref<4x128x128xf32, #tpu.memory_space<vmem>> -> memref<1x128x128xf32, #tpu.memory_space<vmem>>
    %dma_wait3A_57 = tpu.memref_squeeze %dma_wait3A_56 : memref<1x128x128xf32, #tpu.memory_space<vmem>> -> memref<128x128xf32, #tpu.memory_space<vmem>>
    tpu.wait_dma2 semaphore(%arg8 : memref<!tpu.dma_semaphore, #tpu.memory_space<semaphore_mem>>) src(%dma_wait3A_57 : memref<128x128xf32, #tpu.memory_space<vmem>>) dst(%dma_wait3A_53 : memref<128x128xf32, #tpu.memory_space<hbm>>)
    %dma_wait3A_58 = arith.constant 3 : i32
    %dma_wait3A_59 = arith.constant 47 : i32
    %dma_wait3A_60 = arith.constant 0 : i32
    %dma_wait3A_61 = arith.constant 0 : i32
    %dma_wait3A_62 = tpu.memref_slice %arg6[%dma_wait3A_58, %dma_wait3A_60, %dma_wait3A_61] : memref<4x128x128xf32, #tpu.memory_space<vmem>> -> memref<1x128x128xf32, #tpu.memory_space<vmem>>
    %dma_wait3A_63 = tpu.memref_squeeze %dma_wait3A_62 : memref<1x128x128xf32, #tpu.memory_space<vmem>> -> memref<128x128xf32, #tpu.memory_space<vmem>>
    %dma_wait3A_64 = arith.constant 0 : i32
    %dma_wait3A_65 = tpu.memref_slice %arg4[%dma_wait3A_59, %mul3A_2, %dma_wait3A_64] : memref<50x4096x128xf32, #tpu.memory_space<hbm>> -> memref<1x128x128xf32, #tpu.memory_space<hbm>>
    %dma_wait3A_66 = tpu.memref_squeeze %dma_wait3A_65 : memref<1x128x128xf32, #tpu.memory_space<hbm>> -> memref<128x128xf32, #tpu.memory_space<hbm>>
    %dma_wait3A_67 = arith.constant 0 : i32
    %dma_wait3A_68 = tpu.memref_slice %arg4[%dma_wait3A_59, %mul3A_2, %dma_wait3A_67] : memref<50x4096x128xf32, #tpu.memory_space<hbm>> -> memref<1x128x128xf32, #tpu.memory_space<hbm>>
    %dma_wait3A_69 = tpu.memref_squeeze %dma_wait3A_68 : memref<1x128x128xf32, #tpu.memory_space<hbm>> -> memref<128x128xf32, #tpu.memory_space<hbm>>
    %dma_wait3A_70 = arith.constant 0 : i32
    %dma_wait3A_71 = arith.constant 0 : i32
    %dma_wait3A_72 = tpu.memref_slice %arg6[%dma_wait3A_58, %dma_wait3A_70, %dma_wait3A_71] : memref<4x128x128xf32, #tpu.memory_space<vmem>> -> memref<1x128x128xf32, #tpu.memory_space<vmem>>
    %dma_wait3A_73 = tpu.memref_squeeze %dma_wait3A_72 : memref<1x128x128xf32, #tpu.memory_space<vmem>> -> memref<128x128xf32, #tpu.memory_space<vmem>>
    tpu.wait_dma2 semaphore(%arg8 : memref<!tpu.dma_semaphore, #tpu.memory_space<semaphore_mem>>) src(%dma_wait3A_73 : memref<128x128xf32, #tpu.memory_space<vmem>>) dst(%dma_wait3A_69 : memref<128x128xf32, #tpu.memory_space<hbm>>)
    %dma_wait3A_74 = arith.constant 0 : i32
    %dma_wait3A_75 = arith.constant 48 : i32
    %dma_wait3A_76 = arith.constant 0 : i32
    %dma_wait3A_77 = arith.constant 0 : i32
    %dma_wait3A_78 = tpu.memref_slice %arg6[%dma_wait3A_74, %dma_wait3A_76, %dma_wait3A_77] : memref<4x128x128xf32, #tpu.memory_space<vmem>> -> memref<1x128x128xf32, #tpu.memory_space<vmem>>
    %dma_wait3A_79 = tpu.memref_squeeze %dma_wait3A_78 : memref<1x128x128xf32, #tpu.memory_space<vmem>> -> memref<128x128xf32, #tpu.memory_space<vmem>>
    %dma_wait3A_80 = arith.constant 0 : i32
    %dma_wait3A_81 = tpu.memref_slice %arg4[%dma_wait3A_75, %mul3A_2, %dma_wait3A_80] : memref<50x4096x128xf32, #tpu.memory_space<hbm>> -> memref<1x128x128xf32, #tpu.memory_space<hbm>>
    %dma_wait3A_82 = tpu.memref_squeeze %dma_wait3A_81 : memref<1x128x128xf32, #tpu.memory_space<hbm>> -> memref<128x128xf32, #tpu.memory_space<hbm>>
    %dma_wait3A_83 = arith.constant 0 : i32
    %dma_wait3A_84 = tpu.memref_slice %arg4[%dma_wait3A_75, %mul3A_2, %dma_wait3A_83] : memref<50x4096x128xf32, #tpu.memory_space<hbm>> -> memref<1x128x128xf32, #tpu.memory_space<hbm>>
    %dma_wait3A_85 = tpu.memref_squeeze %dma_wait3A_84 : memref<1x128x128xf32, #tpu.memory_space<hbm>> -> memref<128x128xf32, #tpu.memory_space<hbm>>
    %dma_wait3A_86 = arith.constant 0 : i32
    %dma_wait3A_87 = arith.constant 0 : i32
    %dma_wait3A_88 = tpu.memref_slice %arg6[%dma_wait3A_74, %dma_wait3A_86, %dma_wait3A_87] : memref<4x128x128xf32, #tpu.memory_space<vmem>> -> memref<1x128x128xf32, #tpu.memory_space<vmem>>
    %dma_wait3A_89 = tpu.memref_squeeze %dma_wait3A_88 : memref<1x128x128xf32, #tpu.memory_space<vmem>> -> memref<128x128xf32, #tpu.memory_space<vmem>>
    tpu.wait_dma2 semaphore(%arg8 : memref<!tpu.dma_semaphore, #tpu.memory_space<semaphore_mem>>) src(%dma_wait3A_89 : memref<128x128xf32, #tpu.memory_space<vmem>>) dst(%dma_wait3A_85 : memref<128x128xf32, #tpu.memory_space<hbm>>)
    %dma_wait3A_90 = arith.constant 1 : i32
    %dma_wait3A_91 = arith.constant 49 : i32
    %dma_wait3A_92 = arith.constant 0 : i32
    %dma_wait3A_93 = arith.constant 0 : i32
    %dma_wait3A_94 = tpu.memref_slice %arg6[%dma_wait3A_90, %dma_wait3A_92, %dma_wait3A_93] : memref<4x128x128xf32, #tpu.memory_space<vmem>> -> memref<1x128x128xf32, #tpu.memory_space<vmem>>
    %dma_wait3A_95 = tpu.memref_squeeze %dma_wait3A_94 : memref<1x128x128xf32, #tpu.memory_space<vmem>> -> memref<128x128xf32, #tpu.memory_space<vmem>>
    %dma_wait3A_96 = arith.constant 0 : i32
    %dma_wait3A_97 = tpu.memref_slice %arg4[%dma_wait3A_91, %mul3A_2, %dma_wait3A_96] : memref<50x4096x128xf32, #tpu.memory_space<hbm>> -> memref<1x128x128xf32, #tpu.memory_space<hbm>>
    %dma_wait3A_98 = tpu.memref_squeeze %dma_wait3A_97 : memref<1x128x128xf32, #tpu.memory_space<hbm>> -> memref<128x128xf32, #tpu.memory_space<hbm>>
    %dma_wait3A_99 = arith.constant 0 : i32
    %dma_wait3A_100 = tpu.memref_slice %arg4[%dma_wait3A_91, %mul3A_2, %dma_wait3A_99] : memref<50x4096x128xf32, #tpu.memory_space<hbm>> -> memref<1x128x128xf32, #tpu.memory_space<hbm>>
    %dma_wait3A_101 = tpu.memref_squeeze %dma_wait3A_100 : memref<1x128x128xf32, #tpu.memory_space<hbm>> -> memref<128x128xf32, #tpu.memory_space<hbm>>
    %dma_wait3A_102 = arith.constant 0 : i32
    %dma_wait3A_103 = arith.constant 0 : i32
    %dma_wait3A_104 = tpu.memref_slice %arg6[%dma_wait3A_90, %dma_wait3A_102, %dma_wait3A_103] : memref<4x128x128xf32, #tpu.memory_space<vmem>> -> memref<1x128x128xf32, #tpu.memory_space<vmem>>
    %dma_wait3A_105 = tpu.memref_squeeze %dma_wait3A_104 : memref<1x128x128xf32, #tpu.memory_space<vmem>> -> memref<128x128xf32, #tpu.memory_space<vmem>>
    tpu.wait_dma2 semaphore(%arg8 : memref<!tpu.dma_semaphore, #tpu.memory_space<semaphore_mem>>) src(%dma_wait3A_105 : memref<128x128xf32, #tpu.memory_space<vmem>>) dst(%dma_wait3A_101 : memref<128x128xf32, #tpu.memory_space<hbm>>)
    return
  }
}

</mosaic_0001>

<sc_bundles>
// kernel: kernel.3.cloned.1.call-start
scs
__scs_entry_jumppad:
0x0: {  	(pc) =	sbr.rel $0x88, $3  }
0x1: {  	(tag) =	ssettag $0x0;
	lr =	simm.s32 $0x1  }
0x2: {  	[smem:$0x3F9F] =	sst lr;
	_ =	strace $0xD0000000  }
0x3: {  	_ = 	snop  }
0x4: {  	_ = 	snop  }
0x5: {  	_ = 	snop  }
0x6: {  	_ = 	snop  }
0x7: {  	_ = 	snop  }
__scs_overlays_trampoline_lowered:
0x8: {  	[smem:$0x3FAE] =	sst s0  }
0x9: {  	[smem:$0x3FAF] =	sst s1  }
0xa: {  	[smem:$0x3FB0] =	sst s2  }
0xb: {  	[smem:$0x3FB1] =	sst s3  }
0xc: {  	[smem:$0x3FB2] =	sst s4  }
0xd: {  	[smem:$0x3FB3] =	sst s5  }
0xe: {  	[smem:$0x3FB4] =	sst s6  }
0xf: {  	[smem:$0x3FB5] =	sst s7  }
0x10: {  	[smem:$0x3FB6] =	sst s8  }
0x11: {  	[smem:$0x3FB7] =	sst s9;
	s0 =	simm.s32 @!p0 $0x0  }
0x12: {  	s1 =	sld [smem:$0x3F9D];
	s0 =	simm.s32 @p0 $0x1  }
0x13: {  	[smem:$0x3FB8] =	sst s0;
	s0 =	simm.s32 @!p1 $0x0  }
0x14: {  	s2 =	sld [smem:$0x3F9C];
	s0 =	simm.s32 @p1 $0x1  }
0x15: {  	[smem:$0x3FB9] =	sst s0;
	s0 =	simm.s32 @!p2 $0x0  }
0x16: {  	s3 =	sld [smem:$0x3FDB];
	s0 =	simm.s32 @p2 $0x1  }
0x17: {  	s4 =	simm.s32 $0x1BF5;
	[smem:$0x3FBB] =	sst s0  }
0x18: {  	s0 =	sld [smem:$0x3F9E];
	_ =	swait.ge [sflag:s4], $0x0  }
0x19: {  	s7 =	sld [smem:$0x3F9F]  }
0x1a: {  	s8 =	sadd.s32 $0xFFFFE003, lr  }
0x1b: {  	s9 =	sadd.s32 $0xFFFFFEF7, lr;
	s5 =	simm.s32 $0xFFFFFFFF;
	p2 =	slt.u32 s8, $0xFFFFF086  }
0x1c: {  	p1 =	slt.u32 s9, $0xF7A;
	s5 =	simm.s32 @!p2 $0x0  }
0x1d: {  	s5 =	simm.s32 @p1 $0x1;
	p0 =	seq.s32 s7, s2  }
0x1e: {  	s7 =	smul.u32 @!p0 $0xF7A, s2;
	p2 =	seq.s32 @!p0 s5, $0x0  }
0x1f: {  	s9 =	smul.u32 $0xF7A, s1;
	s8 =	simm.s32 @!p0 $0x1BF5;
	p2 =	por !p2, p0  }
0x20: {  	[sflag:s8] =	ssyncset.s32 @!p0 $0xFFFFF086;
	s6 =	sadd.s32 @!p0 s3, s7;
	s7 =	simm.s32 @!p0 $0x108  }
0x21: {  	s3 =	sadd.s32 s3, s9;
	s6 =	sadd.s32 @!p0 $0x88, s6;
	s7 =	simm.s32 @p2 $0x1082  }
0x22: {  	[simem:s7], [sflag:s8] =	dma.local @!p0 [hbm:s6], $0xF7A  }
0x23: {  	s9 =	sor.u32 $0xD0000000, s2;
	s6 =	simm.s32 $0x108;
	_ =	swait.ge @!p0 [sflag:s8], $0x0  }
0x24: {  	s3 =	sadd.s32 $0x88, s3;
	s6 =	simm.s32 @!p1 $0x1082;
	[sflag:s4] =	ssyncset.s32 $0xFFFFF086  }
0x25: {  	[simem:s6], [sflag:s4] =	dma.local [hbm:s3], $0xF7A  }
0x26: {  	[smem:$0x3F9F] =	sst s1;
	(tag) =	ssettag s2;
	_ =	strace s9  }
0x27: {  	s1 =	sld [smem:$0x3FAF]  }
0x28: {  	s2 =	sld [smem:$0x3FB0]  }
0x29: {  	s4 =	sld [smem:$0x3FB2]  }
0x2a: {  	p0 =	seq.s32 s5, $0x0;
	s5 =	sld [smem:$0x3FB3]  }
0x2b: {  	s6 =	sld [smem:$0x3FB4]  }
0x2c: {  	s7 =	sld [smem:$0x3FB5]  }
0x2d: {  	s3 =	simm.s32 $0x108;
	s8 =	sld [smem:$0x3FB6]  }
0x2e: {  	s3 =	simm.s32 @!p0 $0x1082;
	s9 =	sld [smem:$0x3FB7]  }
0x2f: {  	lr =	sadd.s32 s0, s3;
	s0 =	sld [smem:$0x3FAE]  }
0x30: {  	s3 =	sld [smem:$0x3FB1]  }
0x31: {  	[smem:$0x3FBA] =	sst s10  }
0x32: {  	s10 =	sld [smem:$0x3FB8];
	_ =	sdelay $0x3  }
0x33: {  	p0 =	seq.s32 s10, $0x1;
	s10 =	sld [smem:$0x3FBA];
	_ =	sdelay $0x3  }
0x34: {  	[smem:$0x3FBA] =	sst s10  }
0x35: {  	s10 =	sld [smem:$0x3FB9];
	_ =	sdelay $0x3  }
0x36: {  	p1 =	seq.s32 s10, $0x1;
	s10 =	sld [smem:$0x3FBA];
	_ =	sdelay $0x3  }
0x37: {  	[smem:$0x3FBA] =	sst s10  }
0x38: {  	s10 =	sld [smem:$0x3FBB]  }
0x39: {  	_ = 	snop;
	(pc) =	sbr.ind lr, $3  }
0x3a: {  	_ = 	snop  }
0x3b: {  	_ = 	snop  }
0x3c: {  	p2 =	seq.s32 s10, $0x1;
	s10 =	sld [smem:$0x3FBA]  }
0x3d: {  	_ =	shalt  }
0x3e: {  	_ =	shalt  }
0x3f: {  	_ =	shalt  }
0x40: {  	_ =	shalt  }
0x41: {  	_ =	shalt  }
0x42: {  	_ =	shalt  }
0x43: {  	_ =	shalt  }
0x44: {  	_ =	shalt  }
0x45: {  	_ =	shalt  }
0x46: {  	_ =	shalt  }
0x47: {  	_ =	shalt  }
0x48: {  	_ =	shalt  }
0x49: {  	_ =	shalt  }
0x4a: {  	_ =	shalt  }
0x4b: {  	_ =	shalt  }
0x4c: {  	_ =	shalt  }
0x4d: {  	_ =	shalt  }
0x4e: {  	_ =	shalt  }
0x4f: {  	_ =	shalt  }
0x50: {  	_ =	shalt  }
0x51: {  	_ =	shalt  }
0x52: {  	_ =	shalt  }
0x53: {  	_ =	shalt  }
0x54: {  	_ =	shalt  }
0x55: {  	_ =	shalt  }
0x56: {  	_ =	shalt  }
0x57: {  	_ =	shalt  }
0x58: {  	_ =	shalt  }
0x59: {  	_ =	shalt  }
0x5a: {  	_ =	shalt  }
0x5b: {  	_ =	shalt  }
0x5c: {  	_ =	shalt  }
0x5d: {  	_ =	shalt  }
0x5e: {  	_ =	shalt  }
0x5f: {  	_ =	shalt  }
0x60: {  	_ =	shalt  }
0x61: {  	_ =	shalt  }
0x62: {  	_ =	shalt  }
0x63: {  	_ =	shalt  }
0x64: {  	_ =	shalt  }
0x65: {  	_ =	shalt  }
0x66: {  	_ =	shalt  }
0x67: {  	_ =	shalt  }
0x68: {  	_ =	shalt  }
0x69: {  	_ =	shalt  }
0x6a: {  	_ =	shalt  }
0x6b: {  	_ =	shalt  }
0x6c: {  	_ =	shalt  }
0x6d: {  	_ =	shalt  }
0x6e: {  	_ =	shalt  }
0x6f: {  	_ =	shalt  }
0x70: {  	_ =	shalt  }
0x71: {  	_ =	shalt  }
0x72: {  	_ =	shalt  }
0x73: {  	_ =	shalt  }
0x74: {  	_ =	shalt  }
0x75: {  	_ =	shalt  }
0x76: {  	_ =	shalt  }
0x77: {  	_ =	shalt  }
0x78: {  	_ =	shalt  }
0x79: {  	_ =	shalt  }
0x7a: {  	_ =	shalt  }
0x7b: {  	_ =	shalt  }
0x7c: {  	_ =	shalt  }
0x7d: {  	_ =	shalt  }
0x7e: {  	_ =	shalt  }
0x7f: {  	_ =	shalt  }
0x80: {  	_ =	shalt  }
0x81: {  	_ =	shalt  }
0x82: {  	_ =	shalt  }
0x83: {  	_ =	shalt  }
0x84: {  	_ =	shalt  }
0x85: {  	_ =	shalt  }
0x86: {  	_ =	shalt  }
0x87: {  	_ =	shalt  }
.Lfunc_end0:
.L_simem_size_0:
called_computation_lowered:
.L_overlay_start_0:
0x88: {  	s2 =	sld [smem:$0x3FD9]  }
0x89: {  	s3 =	sld [smem:$0x3FFE];
	_ =	sdelay $0x1  }
0x8a: {  	s1 =	srdreg.scid  }
0x8b: {  	s0 =	sand.u32 $0x1, s1  }
0x8c: {  	s18 =	sshll.u32 s0, $0xA;
	s2 =	sadd.s32 s3, s2  }
0x8d: {  	s2 =	sadd.s32 s2, s18  }
0x8e: {  	[smem:$0x3FC6] =	sst s2  }
0x8f: {  	_ = 	snop  }
0x90: {  	s2 =	sld [smem:$0x3FC9]  }
0x91: {  	s19 =	sld [smem:$0x3FC8]  }
0x92: {  	s4 =	sld [smem:$0x3FD0];
	(tm) =	ssettm $0x1  }
0x93: {  	s5 =	sld [smem:$0x3FFB];
	_ =	sdelay $0x3  }
0x94: {  	_ =	strace s5  }
0x95: {  	s5 =	sld [smem:$0x3FFC];
	_ =	sdelay $0x3  }
0x96: {  	_ =	strace s5  }
0x97: {  	s5 =	sld [smem:$0x3FFD];
	_ =	sdelay $0x3  }
0x98: {  	_ =	strace s5  }
0x99: {  	_ =	strace $0x8FFFFFFF  }
0x9a: {  	s20 =	sld [smem:$0x3FDB];
	_ =	sdelay $0x1  }
0x9b: {  	s6 =	simm.s32 $_scs_section_size  }
0x9c: {  	s7 =	simm.s32 $_size__tile_overlayer_lowered;
	s8 =	simm.s32 $_tile_overlayer_lowered  }
0x9d: {  	s23 =	simm.s32 $0x1BFF;
	s22 =	sshll.u32 s8, $0x1;
	s5 =	sadd.s32 s6, s20  }
0x9e: {  	s9 =	simm.s32 $0x0;
	s21 =	sshll.u32 s7, $0x1;
	s7 =	sadd.s32 s22, s5  }
0x9f: {  	[timem:s9], [sflag:s23] =	dma.local [hbm:s7], s21  }
0xa0: {  	_ =	swait.ge [sflag:s23], s21  }
0xa1: {  	s6 =	ssub.s32 $0x0, s21;
	[sflag:s23] =	ssyncset.done $0x0  }
0xa2: {  	[sflag:s23] =	ssyncadd.s32 s6;
	_ =	sdelay $0x1  }
0xa3: {  	s24 =	simm.s32 $0x1B8B  }
0xa4: {  	_ =	swait.ge [sflag:s24], $0x1  }
0xa5: {  	[sflag:s24] =	ssyncset.done $0x0  }
0xa6: {  	s25 =	simm.s32 $0x1B8E;
	[sflag:s24] =	ssyncadd.s32 $0xFFFFFFFF  }
0xa7: {  	s26 =	simm.s32 $execute0_lowered;
	[smem:$0x3FD2] =	sst s25  }
0xa8: {  	s6 =	sshll.u32 s26, $0x1;
	_ =	strace $0x80000046;
	[dreg:$0x1] =	wrdreg $0xFFFFFFFF  }
0xa9: {  	s28 =	simm.s32 $_size_execute0_lowered;
	s5 =	sadd.s32 s5, s6;
	[dreg:$0x0] =	wrdreg $0x0  }
0xaa: {  	s6 =	sshll.u32 s28, $0x1;
	[dreg:$0x2] =	wrdreg s5  }
0xab: {  	[dreg:$0x3] =	wrdreg s6  }
0xac: {  	[dreg:$0x4] =	wrdreg $0xC0  }
0xad: {  	_ =	task [dreg:s9], $0x5FFFF  }
0xae: {  	[dreg:$0x1] =	wrdreg $0xFFFFFFFF  }
0xaf: {  	[dreg:$0x0] =	wrdreg $0x60  }
0xb0: {  	[dreg:$0x2] =	wrdreg s2  }
0xb1: {  	[dreg:$0x3] =	wrdreg s19  }
0xb2: {  	[dreg:$0x4] =	wrdreg s4  }
0xb3: {  	[dreg:$0x5] =	wrdreg $0x9  }
0xb4: {  	_ =	task.clear_ibuf [dreg:s9], $0x6FFFF;
	_ =	strace $0x90000046  }
0xb5: {  	s29 =	simm.s32 $0x9;
	_ =	strace $0x80000048  }
0xb6: {  	_ =	swait.ge [sflag:s29], $0x1  }
0xb7: {  	[sflag:s29] =	ssyncadd.s32 $0xFFFFFFFF  }
0xb8: {  	_ =	strace $0x90000048  }
0xb9: {  	_ =	sfence  }
0xba: {  	s30 =	sld [smem:$0x0];
	_ =	sdelay $0x2  }
0xbb: {  	s31 =	sshll.u32 s1, $0xD;
	s1 =	sshrl.u32 s1, $0x2  }
0xbc: {  	s3 =	sand.u32 $0x4000, s31;
	s1 =	sadd.s32 s1, s30  }
0xbd: {  	s0 =	sor.u32 s3, s0;
	s1 =	sshll.u32 s1, $0x11  }
0xbe: {  	s0 =	sor.u32 s1, s0  }
0xbf: {  	s0 =	sadd.s32 $0x8F2B, s0  }
0xc0: {  	[sflag:s0] =	ssyncadd.remote.s32 $0x1  }
0xc1: {  	_ =	sfence.sel $0xFFFF  }
0xc2: {  	[dreg:$0x0] =	wrdreg $0xFFFFFFFF;
	(pc) =	sbr.abs _section_cstart, $3  }
0xc3: {  	[dreg:$0x1] =	wrdreg $0xFFFFFFFF  }
0xc4: {  	_ =	task.clear_ibuf [dreg:s9], $0x2FFFF;
	_ =	strace $0x9FFFFFFF  }
0xc5: {  	(tm) =	ssettm $0x7FFFFFFF  }
tec
execute0_lowered:
.L_overlay_start_1:
0x0: {  	(tag) =	ssettag $0x1  }
0x1: {  	s4 =	rddreg [dreg:$0x0]  }
0x2: {  	s2 =	rddreg [dreg:$0x1]  }
0x3: {  	s6 =	rddreg [dreg:$0x2];
	s3 =	srdreg.scid  }
0x4: {  	s0 =	rddreg [dreg:$0x3];
	s1 =	stileid.u32;
	s12 =	simm.s32 $0x3  }
0x5: {  	s13 =	simm.s32 $0x80;
	s14 =	simm.s32 $0x1C00;
	s15 =	simm.s32 $0x5C00  }
0x6: {  	s16 =	simm.s32 $0x100;
	s17 =	simm.s32 $0x9C00;
	s18 =	simm.s32 $0x180  }
0x7: {  	s19 =	simm.s32 $0xDC00;
	s20 =	simm.s32 $0x1;
	s21 =	simm.s32 $0x2  }
0x8: {  	s22 =	simm.s32 $0x0;
	s7 =	sand.u32 $0x1, s3;
	s3 =	simm.s32 $0x0  }
0x9: {  	s5 =	sshll.u32 s1, $0x8;
	s10 =	sshll.u32 s1, $0xC;
	s8 =	sshll.u32 s7, $0x7  }
0xa: {  	[smem:$0x7FF] =	sst s3;
	s9 =	ssub.s32 $0x2, s7;
	s10 =	sadd.s32 s10, s6  }
0xb: {  	s11 =	sshll.u32 s7, $0xB;
	s8 =	sor.u32 s8, s5;
	_ =	strace $0x80000047  }
0xc: {  	s30 =	sshrl.u32 s9, $0x1;
	s31 =	sadd.s32 s11, s10;
	s10 =	simm.s32 $0x8000  }
0xd: {  	s11 =	simm.s32 $0x1800;
	s4 =	sadd.s32 s4, s8;
	s8 =	sshll.u32 s8, $0x4  }
0xe: {  	s9 =	ssub.s32 s9, s30;
	s5 =	sadd.s32 $0x6000, s4;
	s6 =	sadd.s32 s6, s8  }
0xf: {  	s7 =	smax.u32 s9, $0x1;
	s8 =	sadd.s32 $0x10000, s31;
	s9 =	simm.s32 $0x400  }
.LBB2_1:
0x10: {  	[tilespmem:s3], [sflag:$0x3] =	stream.strided.gather [hbm4b:s4+s9], $0x1800, s10, s9, $0x38;
	[tilespmem:$0x11C00] =	vst v63  }
0x11: {  	_ = 	snop  }
0x12: {  	[tilespmem:s11], [sflag:$0x3] =	stream.linear.gather [hbm4b:s5+s3], $0x100, $0x38;
	[tilespmem:$0x11C00] =	vst v63  }
0x13: {  	_ =	swait.ge [sflag:s12], $0x1900  }
0x14: {  	[sflag:s12] =	ssyncset.done $0x0  }
0x15: {  	[sflag:s12] =	ssyncadd.s32 $0xFFFFE700  }
0x16: {  	[tilespmem:s14], [sflag:$0x1] =	stream.indirect.gather [hbm4b:s2+s13], $0x80, s3, s13, $0xb8;
	[tilespmem:$0x11C00] =	vst v63  }
0x17: {  	_ = 	snop  }
0x18: {  	[tilespmem:s15], [sflag:$0x1] =	stream.indirect.gather [hbm4b:s2+s13], $0x80, s13, s13, $0xb8;
	[tilespmem:$0x11C00] =	vst v63  }
0x19: {  	_ = 	snop  }
0x1a: {  	[tilespmem:s17], [sflag:$0x1] =	stream.indirect.gather [hbm4b:s2+s13], $0x80, s16, s13, $0xb8;
	[tilespmem:$0x11C00] =	vst v63  }
0x1b: {  	_ =	swait.ge [sflag:s20], $0x4000  }
0x1c: {  	[sflag:s20] =	ssyncset.done $0x0  }
0x1d: {  	[sflag:s20] =	ssyncadd.s32 $0xFFFFC000  }
0x1e: {  	[tilespmem:s19], [sflag:$0x1] =	stream.indirect.gather [hbm4b:s2+s13], $0x80, s18, s13, $0xb8;
	[tilespmem:$0x11C00] =	vst v63  }
0x1f: {  	_ = 	snop  }
0x20: {  	[hbm4b:s6+s3] =	stream.linear.scatter [tilespmem:s14], [sflag:$0x2], $0x4000, $0x38;
	[tilespmem:$0x11C00] =	vst v63  }
0x21: {  	p0 =	por $0x0, $0x0;
	s23 =	simm.s32 $0x40000;
	_ =	swait.ge [sflag:s20], $0x4000  }
0x22: {  	s25 =	simm.s32 $0x200;
	s28 =	simm.s32 $0x10000;
	[sflag:s20] =	ssyncset.done $0x0  }
0x23: {  	s30 =	sadd.s32 $0x40000, s8;
	s24 =	simm.s32 @!p0 $0x2;
	[sflag:s20] =	ssyncadd.s32 $0xFFFFC000  }
0x24: {  	s26 =	sand.u32 @!p0 $0x30000, s23;
	s31 =	sand.u32 $0x30000, s28;
	_ =	swait.ge @!p0 [sflag:s24], $0x4000  }
0x25: {  	s26 =	sshrl.u32 @!p0 s26, $0x2;
	s28 =	sshrl.u32 s31, $0x2;
	[sflag:s24] =	ssyncset.done @!p0 $0x0  }
0x26: {  	s26 =	sor.u32 @!p0 $0x1C00, s26;
	[sflag:s24] =	ssyncadd.s32 @!p0 $0xFFFFC000;
	s24 =	simm.s32 @!p0 $0x80  }
0x27: {  	[tilespmem:s26], [sflag:$0x1] =	stream.indirect.gather @!p0 [hbm4b:s2+s24], $0x80, s25, s24, $0xb8;
	[tilespmem:$0x11C00] =	vst v63  }
0x28: {  	s24 =	simm.s32 $0x2;
	s26 =	sadd.s32 $0xFFFC0000, s30;
	s25 =	simm.s32 $0x280  }
.LBB2_2:
0x29: {  	s28 =	sor.u32 $0x1C00, s28  }
0x2a: {  	s23 =	sadd.s32 $0x10000, s23;
	s29 =	smov.u32 s24;
	s24 =	sadd.s32 $0x1, s24  }
0x2b: {  	[hbm4b:s26+s3] =	stream.linear.scatter [tilespmem:s28], [sflag:$0x2], $0x4000, $0x38;
	[tilespmem:$0x11C00] =	vst v63  }
0x2c: {  	p0 =	sne.s32 s24, $0x32;
	_ =	swait.ge [sflag:s20], $0x4000  }
0x2d: {  	p1 =	sgt.u32 s29, $0x2E;
	s26 =	sadd.s32 s23, s8;
	[sflag:s20] =	ssyncset.done $0x0  }
0x2e: {  	s28 =	simm.s32 @!p1 $0x2;
	s29 =	sand.u32 @!p1 $0x30000, s23;
	[sflag:s20] =	ssyncadd.s32 $0xFFFFC000  }
.Ltmp0:
0x2f: {  	s29 =	sshrl.u32 @!p1 s29, $0x2;
	_ =	swait.ge @!p1 [sflag:s28], $0x4000;
	(pc) =	sbr.rel @p0 .LBB2_2-.Ltmp0, $4  }
0x30: {  	s30 =	sadd.s32 $0xFFFD0000, s23;
	s29 =	sor.u32 @!p1 $0x1C00, s29;
	[sflag:s28] =	ssyncset.done @!p1 $0x0  }
0x31: {  	s30 =	sand.u32 $0x30000, s30;
	[sflag:s28] =	ssyncadd.s32 @!p1 $0xFFFFC000;
	s28 =	simm.s32 @!p1 $0x80  }
0x32: {  	[tilespmem:s29], [sflag:$0x1] =	stream.indirect.gather @!p1 [hbm4b:s2+s28], $0x80, s25, s28, $0xb8;
	[tilespmem:$0x11C00] =	vst v63  }
0x33: {  	s26 =	sadd.s32 $0xFFFC0000, s26;
	s28 =	sshrl.u32 s30, $0x2;
	s25 =	sadd.s32 $0x80, s25  }
0x34: {  	s23 =	sor.u32 $0x1C00, s28  }
0x35: {  	[hbm4b:s26+s3] =	stream.linear.scatter [tilespmem:s23], [sflag:$0x2], $0x4000, $0x38;
	[tilespmem:$0x11C00] =	vst v63  }
0x36: {  	_ =	swait.ge [sflag:s21], $0x4000  }
0x37: {  	[sflag:s21] =	ssyncset.done $0x0  }
0x38: {  	[sflag:s21] =	ssyncadd.s32 $0xFFFFC000  }
0x39: {  	_ =	swait.ge [sflag:s21], $0x4000  }
0x3a: {  	[sflag:s21] =	ssyncset.done $0x0  }
0x3b: {  	s22 =	sadd.s32 $0x1, s22;
	[sflag:s21] =	ssyncadd.s32 $0xFFFFC000  }
0x3c: {  	p0 =	sne.s32 s22, s7;
	_ =	swait.ge [sflag:s21], $0x4000  }
.Ltmp1:
0x3d: {  	[sflag:s21] =	ssyncset.done $0x0;
	(pc) =	sbr.rel @p0 .LBB2_1-.Ltmp1, $4  }
0x3e: {  	[sflag:s21] =	ssyncadd.s32 $0xFFFFC000  }
0x3f: {  	_ =	swait.ge [sflag:s21], $0x4000  }
0x40: {  	[sflag:s21] =	ssyncset.done $0x0  }
0x41: {  	[sflag:s21] =	ssyncadd.s32 $0xFFFFC000  }
0x42: {  	_ =	sfence.sel $0x180000  }
0x43: {  	[bflag:$0x0] =	sbarrier.arrive $0xFFFF  }
0x44: {  	p0 =	sne.s32 s1, $0x0;
	_ =	strace $0x90000047  }
0x45: {  	s0 =	sadd.s32 @!p0 $0x100000, s0;
	[bflag:$0x2] =	sbarrier.arrive $0xFFFF  }
0x46: {  	[sflag:s0] =	ssyncadd.tile.s32 @!p0 $0x1;
	_ =	shalt  }
.Lfunc_end2:
_tile_overlayer_lowered:
.L_overlay_start_2:
0x47: {  	(tag) =	ssettag $0x2  }
0x48: {  	s0 =	rddreg [dreg:$0x0];
	s2 =	stileid.u32  }
0x49: {  	s1 =	rddreg [dreg:$0x1];
	p0 =	sne.s32 s2, $0x0  }
0x4a: {  	s3 =	rddreg [dreg:$0x2];
	[bflag:$0x3] =	sbarrier.arrive $0xFFFF;
	s2 =	simm.s32 @!p0 $0x1C03  }
0x4b: {  	[timem:s3], [sflag:s2] =	dma.local @!p0 [hbm:s0], s1  }
0x4c: {  	s0 =	simm.s32 @!p0 $0x3  }
0x4d: {  	_ =	swait.ge @!p0 [sflag:s0], s1  }
0x4e: {  	s1 =	ssub.s32 @!p0 $0x0, s1;
	[sflag:s0] =	ssyncset.done @!p0 $0x0  }
0x4f: {  	[sflag:s0] =	ssyncadd.s32 @!p0 s1  }
0x50: {  	[bflag:$0x3] =	sbarrier.arrive $0xFFFF  }
0x51: {  	_ =	shalt  }

</sc_bundles>
